<compile_context>
chip_gen: v7x
topology: tpu7x:2x2x1
jax: 0.10.2.dev20260603
libtpu: 0.0.44.dev20260713+nightly
codegen_flags: <defaults>
</compile_context>

<pallas_src>
import functools

import jax
import jax.numpy as jnp
from jax import lax
from jax.experimental import pallas as pl
from jax.experimental.pallas import tpu as pltpu
from jax.experimental.pallas import tpu_sc as plsc

DIM = 32
NUM_WORKERS = 32
CHUNK = 512
NBUF = 2
STRIPE = 896
TAIL = 64

_MESH = plsc.VectorSubcoreMesh(core_axis_name="c", subcore_axis_name="s")
_PARAMS = pltpu.CompilerParams(use_tc_tiling_on_sc=False)
_PARAMS_NOLAYOUT = pltpu.CompilerParams(use_tc_tiling_on_sc=False,
                                        needs_layout_passes=False)


def _transpose_body(vin_ref, vout_ref, n_groups):
    iota = jax.lax.iota(jnp.int32, 16)

    def group(g, carry):
        addr0 = carry
        base = g * 16
        for f in range(DIM):
            x = vin_ref[f, pl.ds(base, 16)]
            plsc.store_scatter(vout_ref, [addr0 + f], x)
        return addr0 + 16 * DIM

    lax.fori_loop(0, n_groups, group, iota * DIM, unroll=False)


def _transpose_tables(t0t, t1t, t0tail, t1tail, vocab):
    n_stripes = (vocab - TAIL) // STRIPE
    assert (vocab - TAIL) % STRIPE == 0 and STRIPE % 16 == 0
    vrows = STRIPE // 4
    trows = TAIL // 4
    n_iter = (n_stripes + NUM_WORKERS - 1) // NUM_WORKERS

    @functools.partial(
        pl.kernel,
        mesh=_MESH,
        compiler_params=pltpu.CompilerParams(needs_layout_passes=False,
                                             disable_bounds_checks=True),
        out_type=(
            jax.ShapeDtypeStruct((vocab * DIM,), jnp.float32),
            jax.ShapeDtypeStruct((vocab * DIM,), jnp.float32),
        ),
        scratch_types=[
            pltpu.VMEM((DIM, STRIPE + 1), jnp.float32),
            pltpu.VMEM((DIM, STRIPE + 1), jnp.float32),
            pltpu.VMEM((STRIPE * DIM,), jnp.float32),
            pltpu.VMEM((STRIPE * DIM,), jnp.float32),
            pltpu.VMEM((DIM, TAIL), jnp.float32),
            pltpu.VMEM((TAIL * DIM,), jnp.float32),
            pltpu.SemaphoreType.DMA,
            pltpu.SemaphoreType.DMA,
            pltpu.SemaphoreType.DMA,
            pltpu.SemaphoreType.DMA,
        ],
    )
    def k(t0_hbm, t1_hbm, tl0_hbm, tl1_hbm, s0_hbm, s1_hbm,
          vin0, vin1, vout0, vout1, vtin, vtout, rs0, rs1, ws0, ws1):
        wid = lax.axis_index("s") * 2 + lax.axis_index("c")
        vins, vouts, rsems, wsems = (vin0, vin1), (vout0, vout1), \
            (rs0, rs1), (ws0, ws1)

        def do_table(src_hbm, dst_hbm):
            def fire_read(it, b):
                sid = wid + it * NUM_WORKERS

                @pl.when(sid < n_stripes)
                def _():
                    pltpu.async_copy(
                        src_hbm.at[:, pl.ds(sid * STRIPE, STRIPE)],
                        vins[b].at[:, pl.ds(0, STRIPE)], rsems[b])

            def wait_read(b):
                pltpu.make_async_copy(
                    src_hbm.at[:, pl.ds(0, STRIPE)],
                    vins[b].at[:, pl.ds(0, STRIPE)], rsems[b]).wait()

            def wait_write(b):
                pltpu.make_async_copy(
                    vouts[b], dst_hbm.at[pl.ds(0, STRIPE * DIM)],
                    wsems[b]).wait()

            fire_read(0, 0)
            fire_read(1, 1)

            def body(it, carry):
                for b in range(2):
                    j = it * 2 + b
                    sid = wid + j * NUM_WORKERS

                    @pl.when(sid < n_stripes)
                    def _():
                        wait_read(b)

                        @pl.when(j >= 2)
                        def _():
                            wait_write(b)

                        _transpose_body(vins[b], vouts[b], STRIPE // 16)
                        pltpu.async_copy(
                            vouts[b],
                            dst_hbm.at[pl.ds(sid * STRIPE * DIM,
                                             STRIPE * DIM)],
                            wsems[b])
                        fire_read(j + 2, b)
                return carry

            lax.fori_loop(0, (n_iter + 1) // 2, body, 0, unroll=False)
            for j in range(max(0, n_iter - 3), n_iter):
                fired = wid + j * NUM_WORKERS < n_stripes
                fired_n2 = wid + (j + 2) * NUM_WORKERS < n_stripes

                @pl.when(jnp.logical_and(fired, jnp.logical_not(fired_n2)))
                def _():
                    wait_write(j % 2)

        do_table(t0_hbm, s0_hbm)
        do_table(t1_hbm, s1_hbm)

        @pl.when(wid == 0)
        def _():
            for tl_hbm, dst_hbm in ((tl0_hbm, s0_hbm), (tl1_hbm, s1_hbm)):
                pltpu.sync_copy(tl_hbm, vtin)
                _transpose_body(vtin, vtout, TAIL // 16)
                pltpu.sync_copy(
                    vtout,
                    dst_hbm.at[pl.ds((vocab - TAIL) * DIM, TAIL * DIM)])

    return k(t0t, t1t, t0tail, t1tail)


@functools.partial(jax.jit, static_argnums=(3, 4))
def _combine(idx_flat, table0, table1, total, per_worker):
    n_chunks = per_worker // CHUNK
    assert per_worker % CHUNK == 0 and n_chunks % NBUF == 0

    row_bufs = [
        [pltpu.VMEM((CHUNK, DIM), jnp.float32) for _ in range(2)]
        for _ in range(NBUF)
    ]
    gather_sems = [pltpu.SemaphoreType.DMA for _ in range(NBUF)]
    write_sems = [pltpu.SemaphoreType.DMA for _ in range(NBUF)]

    @functools.partial(
        pl.kernel,
        mesh=_MESH,
        compiler_params=_PARAMS,
        out_type=jax.ShapeDtypeStruct((total, 2 * DIM), jnp.float32),
        scratch_types=[pltpu.VMEM((per_worker,), jnp.int32), row_bufs,
                       gather_sems, write_sems],
    )
    def k(idx_hbm, t0_hbm, t1_hbm, out_hbm, idx_v, rbufs, gsems, wsems):
        wid = lax.axis_index("s") * 2 + lax.axis_index("c")
        base_w = wid * per_worker
        pltpu.sync_copy(idx_hbm.at[pl.ds(base_w, per_worker)], idx_v)

        def fire_gathers(i, b):
            sl = idx_v.at[pl.ds(i * CHUNK, CHUNK)]
            pltpu.async_copy(t0_hbm.at[sl], rbufs[b][0], gsems[b])
            pltpu.async_copy(t1_hbm.at[sl], rbufs[b][1], gsems[b])

        def wait_gathers(i, b):
            pltpu.make_async_copy(t0_hbm.at[idx_v.at[pl.ds(0, CHUNK)]],
                                  rbufs[b][0], gsems[b]).wait()
            pltpu.make_async_copy(t1_hbm.at[idx_v.at[pl.ds(0, CHUNK)]],
                                  rbufs[b][1], gsems[b]).wait()

        def fire_writes(i, b):
            base = base_w + i * CHUNK
            pltpu.async_copy(rbufs[b][0],
                             out_hbm.at[pl.ds(base, CHUNK), pl.ds(0, DIM)],
                             wsems[b])
            pltpu.async_copy(rbufs[b][1],
                             out_hbm.at[pl.ds(base, CHUNK), pl.ds(DIM, DIM)],
                             wsems[b])

        def wait_writes(b):
            pltpu.make_async_copy(rbufs[b][0],
                                  out_hbm.at[pl.ds(0, CHUNK), pl.ds(0, DIM)],
                                  wsems[b]).wait()
            pltpu.make_async_copy(rbufs[b][1],
                                  out_hbm.at[pl.ds(0, CHUNK), pl.ds(DIM, DIM)],
                                  wsems[b]).wait()

        for b in range(NBUF):
            fire_gathers(b, b)

        def body(g, carry):
            for b in range(NBUF):
                i = g + b
                wait_gathers(i, b)
                fire_writes(i, b)
                wait_writes(b)
                fire_gathers(i + NBUF, b)
            return carry

        lax.fori_loop(0, (n_chunks - NBUF) // NBUF,
                      lambda t, c: body(t * NBUF, c), 0, unroll=False)

        g0 = n_chunks - NBUF
        for b in range(NBUF):
            i = g0 + b
            wait_gathers(i, b)
            fire_writes(i, b)
            wait_writes(b)

    return k(idx_flat, table0, table1)


def kernel(input, table0, table1):
    B, L = input.shape
    total = B * L
    vocab = table0.shape[0]
    idx_flat = input.T.reshape(total).astype(jnp.int32)
    s0f, s1f = _transpose_tables(table0.T, table1.T,
                                 table0[vocab - TAIL:].T,
                                 table1[vocab - TAIL:].T, vocab)
    s0 = s0f.reshape(vocab, DIM)
    s1 = s1f.reshape(vocab, DIM)
    per_worker = total // NUM_WORKERS
    out = _combine(idx_flat, s0, s1, total, per_worker)
    return out.reshape(L, B, 2 * DIM).transpose(1, 0, 2)

# --- scband reference (transcript-rebuilt; emitter-appended) ---
"""Pipeline reference for scband-embedding-combiner-64682207478445 (READ-ONLY COPY).

The authoritative reference and input builder live on the scoring server;
editing this copy changes nothing except your own understanding.
"""

import jax, jax.numpy as jnp
import numpy as np

VOCAB = 1000000
DIM = 32
B = 16384
L = 20

def setup_inputs(seed: int = 0) -> dict:
    key = jax.random.key(seed)
    k_idx, k_t0, k_t1 = jax.random.split(key, 3)
    indices = jax.random.randint(k_idx, (B, L), 0, VOCAB, dtype=jnp.int64 if jax.config.jax_enable_x64 else jnp.int32)
    table0 = jax.random.normal(k_t0, (VOCAB, DIM), dtype=jnp.float32) * 0.02
    table1 = jax.random.normal(k_t1, (VOCAB, DIM), dtype=jnp.float32) * 0.02
    return {"input": indices, "table0": table0, "table1": table1}

def reference(input, table0, table1):
    # EmbeddingCombiner: concat each embedding lookup along last dim
    e0 = jnp.take(table0, input, axis=0)  # [B, L, DIM]
    e1 = jnp.take(table1, input, axis=0)  # [B, L, DIM]
    return jnp.concatenate([e0, e1], axis=-1)  # [B, L, 2*DIM]

if __name__ == "__main__":
    import jax
    _d = setup_inputs()
    print(jax.jit(kernel)(*tuple(_d.values())))

</pallas_src>

<mosaic_0001>
#map = affine_map<(d0, d1) -> (0)>
#map1 = affine_map<(d0, d1) -> (0, 0)>
module attributes {stable_mosaic.version = 14 : i64} {
  func.func @k(%arg0: i32, %arg1: i32, %arg2: memref<327680xi32, #tpu.memory_space<hbm>>, %arg3: memref<1000000x32xf32, #tpu.memory_space<hbm>>, %arg4: memref<1000000x32xf32, #tpu.memory_space<hbm>>, %arg5: memref<327680x64xf32, #tpu.memory_space<hbm>>, %arg6: memref<10240xi32, #tpu.memory_space<vmem>>, %arg7: memref<512x32xf32, #tpu.memory_space<vmem>>, %arg8: memref<512x32xf32, #tpu.memory_space<vmem>>, %arg9: memref<512x32xf32, #tpu.memory_space<vmem>>, %arg10: memref<512x32xf32, #tpu.memory_space<vmem>>, %arg11: memref<!tpu.dma_semaphore, #tpu.memory_space<semaphore_mem>>, %arg12: memref<!tpu.dma_semaphore, #tpu.memory_space<semaphore_mem>>, %arg13: memref<!tpu.dma_semaphore, #tpu.memory_space<semaphore_mem>>, %arg14: memref<!tpu.dma_semaphore, #tpu.memory_space<semaphore_mem>>) attributes {dimension_semantics = [#tpu.dimension_semantics<core_parallel>, #tpu.dimension_semantics<subcore_parallel>], iteration_bounds = array<i64: 2, 16>, scalar_prefetch = 0 : i64, scratch_operands = 9 : i64, tpu.core_type = #tpu.core_type<sc_vector_subcore>, window_params = [{transform_indices = #map}, {transform_indices = #map1}, {transform_indices = #map1}, {transform_indices = #map1}]} {
    %mul3A = arith.constant 2 : i32
    %mul3A_0 = arith.muli %arg1, %mul3A : i32
    %add3A = arith.addi %mul3A_0, %arg0 : i32
    %mul3A_1 = arith.constant 10240 : i32
    %mul3A_2 = arith.muli %add3A, %mul3A_1 : i32
    "tpu.region"() ({
      %run_scoped3A = tpu.sem_alloc : memref<!tpu.dma_semaphore, #tpu.memory_space<semaphore_mem>>
      %dma_start3A_90 = tpu.memref_slice %arg2[%mul3A_2] : memref<327680xi32, #tpu.memory_space<hbm>> -> memref<10240xi32, #tpu.memory_space<hbm>>
      %dma_start3A_91 = tpu.memref_slice %arg2[%mul3A_2] : memref<327680xi32, #tpu.memory_space<hbm>> -> memref<10240xi32, #tpu.memory_space<hbm>>
      tpu.enqueue_dma source(%dma_start3A_91 : memref<10240xi32, #tpu.memory_space<hbm>>) target(%arg6 : memref<10240xi32, #tpu.memory_space<vmem>>) target_semaphore(%run_scoped3A : memref<!tpu.dma_semaphore, #tpu.memory_space<semaphore_mem>>)
      %dma_wait3A_92 = tpu.memref_slice %arg2[%mul3A_2] : memref<327680xi32, #tpu.memory_space<hbm>> -> memref<10240xi32, #tpu.memory_space<hbm>>
      %dma_wait3A_93 = tpu.memref_slice %arg2[%mul3A_2] : memref<327680xi32, #tpu.memory_space<hbm>> -> memref<10240xi32, #tpu.memory_space<hbm>>
      tpu.wait_dma2 semaphore(%run_scoped3A : memref<!tpu.dma_semaphore, #tpu.memory_space<semaphore_mem>>) src(%dma_wait3A_93 : memref<10240xi32, #tpu.memory_space<hbm>>) dst(%arg6 : memref<10240xi32, #tpu.memory_space<vmem>>)
      tpu.yield
    }) : () -> ()
    %dma_start3A = arith.constant 0 : i32
    %dma_start3A_3 = tpu.memref_slice %arg6[%dma_start3A] : memref<10240xi32, #tpu.memory_space<vmem>> -> memref<512xi32, #tpu.memory_space<vmem>>
    %dma_start3A_4 = arith.constant 0 : i32
    %dma_start3A_5 = arith.constant 0 : i32
    %dma_start3A_6 = tpu.memref_slice %arg3[%dma_start3A_4, %dma_start3A_5] : memref<1000000x32xf32, #tpu.memory_space<hbm>> -> memref<1000000x32xf32, #tpu.memory_space<hbm>>
    tpu.enqueue_indirect_dma source(%dma_start3A_6 : memref<1000000x32xf32, #tpu.memory_space<hbm>>) target(%arg7 : memref<512x32xf32, #tpu.memory_space<vmem>>) offsets(%dma_start3A_3 : memref<512xi32, #tpu.memory_space<vmem>>) semaphore(%arg11 : memref<!tpu.dma_semaphore, #tpu.memory_space<semaphore_mem>>)
    %dma_start3A_7 = arith.constant 0 : i32
    %dma_start3A_8 = tpu.memref_slice %arg6[%dma_start3A_7] : memref<10240xi32, #tpu.memory_space<vmem>> -> memref<512xi32, #tpu.memory_space<vmem>>
    %dma_start3A_9 = arith.constant 0 : i32
    %dma_start3A_10 = arith.constant 0 : i32
    %dma_start3A_11 = tpu.memref_slice %arg4[%dma_start3A_9, %dma_start3A_10] : memref<1000000x32xf32, #tpu.memory_space<hbm>> -> memref<1000000x32xf32, #tpu.memory_space<hbm>>
    tpu.enqueue_indirect_dma source(%dma_start3A_11 : memref<1000000x32xf32, #tpu.memory_space<hbm>>) target(%arg8 : memref<512x32xf32, #tpu.memory_space<vmem>>) offsets(%dma_start3A_8 : memref<512xi32, #tpu.memory_space<vmem>>) semaphore(%arg11 : memref<!tpu.dma_semaphore, #tpu.memory_space<semaphore_mem>>)
    %dma_start3A_12 = arith.constant 512 : i32
    %dma_start3A_13 = tpu.memref_slice %arg6[%dma_start3A_12] : memref<10240xi32, #tpu.memory_space<vmem>> -> memref<512xi32, #tpu.memory_space<vmem>>
    %dma_start3A_14 = arith.constant 0 : i32
    %dma_start3A_15 = arith.constant 0 : i32
    %dma_start3A_16 = tpu.memref_slice %arg3[%dma_start3A_14, %dma_start3A_15] : memref<1000000x32xf32, #tpu.memory_space<hbm>> -> memref<1000000x32xf32, #tpu.memory_space<hbm>>
    tpu.enqueue_indirect_dma source(%dma_start3A_16 : memref<1000000x32xf32, #tpu.memory_space<hbm>>) target(%arg9 : memref<512x32xf32, #tpu.memory_space<vmem>>) offsets(%dma_start3A_13 : memref<512xi32, #tpu.memory_space<vmem>>) semaphore(%arg12 : memref<!tpu.dma_semaphore, #tpu.memory_space<semaphore_mem>>)
    %dma_start3A_17 = arith.constant 512 : i32
    %dma_start3A_18 = tpu.memref_slice %arg6[%dma_start3A_17] : memref<10240xi32, #tpu.memory_space<vmem>> -> memref<512xi32, #tpu.memory_space<vmem>>
    %dma_start3A_19 = arith.constant 0 : i32
    %dma_start3A_20 = arith.constant 0 : i32
    %dma_start3A_21 = tpu.memref_slice %arg4[%dma_start3A_19, %dma_start3A_20] : memref<1000000x32xf32, #tpu.memory_space<hbm>> -> memref<1000000x32xf32, #tpu.memory_space<hbm>>
    tpu.enqueue_indirect_dma source(%dma_start3A_21 : memref<1000000x32xf32, #tpu.memory_space<hbm>>) target(%arg10 : memref<512x32xf32, #tpu.memory_space<vmem>>) offsets(%dma_start3A_18 : memref<512xi32, #tpu.memory_space<vmem>>) semaphore(%arg12 : memref<!tpu.dma_semaphore, #tpu.memory_space<semaphore_mem>>)
    %scan3A = arith.constant 0 : i32
    %scan3A_22 = arith.constant 0 : i32
    %scan3A_23 = arith.constant 9 : i32
    %scan3A_24 = arith.addi %scan3A_22, %scan3A_23 : i32
    %scan3A_25 = arith.constant 1 : i32
    scf.for %scan3A_90 = %scan3A_22 to %scan3A_24 step %scan3A_25  : i32 {
      %mul3A_91 = arith.constant 2 : i32
      %mul3A_92 = arith.muli %scan3A_90, %mul3A_91 : i32
      %add3A_93 = arith.constant 0 : i32
      %add3A_94 = arith.addi %mul3A_92, %add3A_93 : i32
      %dma_wait3A_95 = arith.constant 0 : i32
      %dma_wait3A_96 = tpu.memref_slice %arg6[%dma_wait3A_95] : memref<10240xi32, #tpu.memory_space<vmem>> -> memref<512xi32, #tpu.memory_space<vmem>>
      %dma_wait3A_97 = arith.constant 0 : i32
      %dma_wait3A_98 = arith.constant 0 : i32
      %dma_wait3A_99 = tpu.memref_slice %arg3[%dma_wait3A_97, %dma_wait3A_98] : memref<1000000x32xf32, #tpu.memory_space<hbm>> -> memref<1000000x32xf32, #tpu.memory_space<hbm>>
      tpu.wait_indirect_dma semaphore(%arg11 : memref<!tpu.dma_semaphore, #tpu.memory_space<semaphore_mem>>) src(%dma_wait3A_99 : memref<1000000x32xf32, #tpu.memory_space<hbm>>) dst(%arg7 : memref<512x32xf32, #tpu.memory_space<vmem>>)
      %dma_wait3A_100 = arith.constant 0 : i32
      %dma_wait3A_101 = tpu.memref_slice %arg6[%dma_wait3A_100] : memref<10240xi32, #tpu.memory_space<vmem>> -> memref<512xi32, #tpu.memory_space<vmem>>
      %dma_wait3A_102 = arith.constant 0 : i32
      %dma_wait3A_103 = arith.constant 0 : i32
      %dma_wait3A_104 = tpu.memref_slice %arg4[%dma_wait3A_102, %dma_wait3A_103] : memref<1000000x32xf32, #tpu.memory_space<hbm>> -> memref<1000000x32xf32, #tpu.memory_space<hbm>>
      tpu.wait_indirect_dma semaphore(%arg11 : memref<!tpu.dma_semaphore, #tpu.memory_space<semaphore_mem>>) src(%dma_wait3A_104 : memref<1000000x32xf32, #tpu.memory_space<hbm>>) dst(%arg8 : memref<512x32xf32, #tpu.memory_space<vmem>>)
      %mul3A_105 = arith.constant 512 : i32
      %mul3A_106 = arith.muli %add3A_94, %mul3A_105 : i32
      %add3A_107 = arith.addi %mul3A_2, %mul3A_106 : i32
      %dma_start3A_108 = arith.constant 0 : i32
      %dma_start3A_109 = tpu.memref_slice %arg5[%add3A_107, %dma_start3A_108] : memref<327680x64xf32, #tpu.memory_space<hbm>> -> memref<512x32xf32, #tpu.memory_space<hbm>>
      %dma_start3A_110 = arith.constant 0 : i32
      %dma_start3A_111 = tpu.memref_slice %arg5[%add3A_107, %dma_start3A_110] : memref<327680x64xf32, #tpu.memory_space<hbm>> -> memref<512x32xf32, #tpu.memory_space<hbm>>
      tpu.enqueue_dma source(%arg7 : memref<512x32xf32, #tpu.memory_space<vmem>>) target(%dma_start3A_111 : memref<512x32xf32, #tpu.memory_space<hbm>>) target_semaphore(%arg13 : memref<!tpu.dma_semaphore, #tpu.memory_space<semaphore_mem>>)
      %dma_start3A_112 = arith.constant 32 : i32
      %dma_start3A_113 = tpu.memref_slice %arg5[%add3A_107, %dma_start3A_112] : memref<327680x64xf32, #tpu.memory_space<hbm>> -> memref<512x32xf32, #tpu.memory_space<hbm>>
      %dma_start3A_114 = arith.constant 32 : i32
      %dma_start3A_115 = tpu.memref_slice %arg5[%add3A_107, %dma_start3A_114] : memref<327680x64xf32, #tpu.memory_space<hbm>> -> memref<512x32xf32, #tpu.memory_space<hbm>>
      tpu.enqueue_dma source(%arg8 : memref<512x32xf32, #tpu.memory_space<vmem>>) target(%dma_start3A_115 : memref<512x32xf32, #tpu.memory_space<hbm>>) target_semaphore(%arg13 : memref<!tpu.dma_semaphore, #tpu.memory_space<semaphore_mem>>)
      %dma_wait3A_116 = arith.constant 0 : i32
      %dma_wait3A_117 = arith.constant 0 : i32
      %dma_wait3A_118 = tpu.memref_slice %arg5[%dma_wait3A_116, %dma_wait3A_117] : memref<327680x64xf32, #tpu.memory_space<hbm>> -> memref<512x32xf32, #tpu.memory_space<hbm>>
      %dma_wait3A_119 = arith.constant 0 : i32
      %dma_wait3A_120 = arith.constant 0 : i32
      %dma_wait3A_121 = tpu.memref_slice %arg5[%dma_wait3A_119, %dma_wait3A_120] : memref<327680x64xf32, #tpu.memory_space<hbm>> -> memref<512x32xf32, #tpu.memory_space<hbm>>
      tpu.wait_dma2 semaphore(%arg13 : memref<!tpu.dma_semaphore, #tpu.memory_space<semaphore_mem>>) src(%arg7 : memref<512x32xf32, #tpu.memory_space<vmem>>) dst(%dma_wait3A_121 : memref<512x32xf32, #tpu.memory_space<hbm>>)
      %dma_wait3A_122 = arith.constant 0 : i32
      %dma_wait3A_123 = arith.constant 32 : i32
      %dma_wait3A_124 = tpu.memref_slice %arg5[%dma_wait3A_122, %dma_wait3A_123] : memref<327680x64xf32, #tpu.memory_space<hbm>> -> memref<512x32xf32, #tpu.memory_space<hbm>>
      %dma_wait3A_125 = arith.constant 0 : i32
      %dma_wait3A_126 = arith.constant 32 : i32
      %dma_wait3A_127 = tpu.memref_slice %arg5[%dma_wait3A_125, %dma_wait3A_126] : memref<327680x64xf32, #tpu.memory_space<hbm>> -> memref<512x32xf32, #tpu.memory_space<hbm>>
      tpu.wait_dma2 semaphore(%arg13 : memref<!tpu.dma_semaphore, #tpu.memory_space<semaphore_mem>>) src(%arg8 : memref<512x32xf32, #tpu.memory_space<vmem>>) dst(%dma_wait3A_127 : memref<512x32xf32, #tpu.memory_space<hbm>>)
      %add3A_128 = arith.constant 2 : i32
      %add3A_129 = arith.addi %add3A_94, %add3A_128 : i32
      %mul3A_130 = arith.constant 512 : i32
      %mul3A_131 = arith.muli %add3A_129, %mul3A_130 : i32
      %dma_start3A_132 = tpu.memref_slice %arg6[%mul3A_131] : memref<10240xi32, #tpu.memory_space<vmem>> -> memref<512xi32, #tpu.memory_space<vmem>>
      %dma_start3A_133 = arith.constant 0 : i32
      %dma_start3A_134 = arith.constant 0 : i32
      %dma_start3A_135 = tpu.memref_slice %arg3[%dma_start3A_133, %dma_start3A_134] : memref<1000000x32xf32, #tpu.memory_space<hbm>> -> memref<1000000x32xf32, #tpu.memory_space<hbm>>
      tpu.enqueue_indirect_dma source(%dma_start3A_135 : memref<1000000x32xf32, #tpu.memory_space<hbm>>) target(%arg7 : memref<512x32xf32, #tpu.memory_space<vmem>>) offsets(%dma_start3A_132 : memref<512xi32, #tpu.memory_space<vmem>>) semaphore(%arg11 : memref<!tpu.dma_semaphore, #tpu.memory_space<semaphore_mem>>)
      %dma_start3A_136 = tpu.memref_slice %arg6[%mul3A_131] : memref<10240xi32, #tpu.memory_space<vmem>> -> memref<512xi32, #tpu.memory_space<vmem>>
      %dma_start3A_137 = arith.constant 0 : i32
      %dma_start3A_138 = arith.constant 0 : i32
      %dma_start3A_139 = tpu.memref_slice %arg4[%dma_start3A_137, %dma_start3A_138] : memref<1000000x32xf32, #tpu.memory_space<hbm>> -> memref<1000000x32xf32, #tpu.memory_space<hbm>>
      tpu.enqueue_indirect_dma source(%dma_start3A_139 : memref<1000000x32xf32, #tpu.memory_space<hbm>>) target(%arg8 : memref<512x32xf32, #tpu.memory_space<vmem>>) offsets(%dma_start3A_136 : memref<512xi32, #tpu.memory_space<vmem>>) semaphore(%arg11 : memref<!tpu.dma_semaphore, #tpu.memory_space<semaphore_mem>>)
      %add3A_140 = arith.constant 1 : i32
      %add3A_141 = arith.addi %mul3A_92, %add3A_140 : i32
      %dma_wait3A_142 = arith.constant 0 : i32
      %dma_wait3A_143 = tpu.memref_slice %arg6[%dma_wait3A_142] : memref<10240xi32, #tpu.memory_space<vmem>> -> memref<512xi32, #tpu.memory_space<vmem>>
      %dma_wait3A_144 = arith.constant 0 : i32
      %dma_wait3A_145 = arith.constant 0 : i32
      %dma_wait3A_146 = tpu.memref_slice %arg3[%dma_wait3A_144, %dma_wait3A_145] : memref<1000000x32xf32, #tpu.memory_space<hbm>> -> memref<1000000x32xf32, #tpu.memory_space<hbm>>
      tpu.wait_indirect_dma semaphore(%arg12 : memref<!tpu.dma_semaphore, #tpu.memory_space<semaphore_mem>>) src(%dma_wait3A_146 : memref<1000000x32xf32, #tpu.memory_space<hbm>>) dst(%arg9 : memref<512x32xf32, #tpu.memory_space<vmem>>)
      %dma_wait3A_147 = arith.constant 0 : i32
      %dma_wait3A_148 = tpu.memref_slice %arg6[%dma_wait3A_147] : memref<10240xi32, #tpu.memory_space<vmem>> -> memref<512xi32, #tpu.memory_space<vmem>>
      %dma_wait3A_149 = arith.constant 0 : i32
      %dma_wait3A_150 = arith.constant 0 : i32
      %dma_wait3A_151 = tpu.memref_slice %arg4[%dma_wait3A_149, %dma_wait3A_150] : memref<1000000x32xf32, #tpu.memory_space<hbm>> -> memref<1000000x32xf32, #tpu.memory_space<hbm>>
      tpu.wait_indirect_dma semaphore(%arg12 : memref<!tpu.dma_semaphore, #tpu.memory_space<semaphore_mem>>) src(%dma_wait3A_151 : memref<1000000x32xf32, #tpu.memory_space<hbm>>) dst(%arg10 : memref<512x32xf32, #tpu.memory_space<vmem>>)
      %mul3A_152 = arith.constant 512 : i32
      %mul3A_153 = arith.muli %add3A_141, %mul3A_152 : i32
      %add3A_154 = arith.addi %mul3A_2, %mul3A_153 : i32
      %dma_start3A_155 = arith.constant 0 : i32
      %dma_start3A_156 = tpu.memref_slice %arg5[%add3A_154, %dma_start3A_155] : memref<327680x64xf32, #tpu.memory_space<hbm>> -> memref<512x32xf32, #tpu.memory_space<hbm>>
      %dma_start3A_157 = arith.constant 0 : i32
      %dma_start3A_158 = tpu.memref_slice %arg5[%add3A_154, %dma_start3A_157] : memref<327680x64xf32, #tpu.memory_space<hbm>> -> memref<512x32xf32, #tpu.memory_space<hbm>>
      tpu.enqueue_dma source(%arg9 : memref<512x32xf32, #tpu.memory_space<vmem>>) target(%dma_start3A_158 : memref<512x32xf32, #tpu.memory_space<hbm>>) target_semaphore(%arg14 : memref<!tpu.dma_semaphore, #tpu.memory_space<semaphore_mem>>)
      %dma_start3A_159 = arith.constant 32 : i32
      %dma_start3A_160 = tpu.memref_slice %arg5[%add3A_154, %dma_start3A_159] : memref<327680x64xf32, #tpu.memory_space<hbm>> -> memref<512x32xf32, #tpu.memory_space<hbm>>
      %dma_start3A_161 = arith.constant 32 : i32
      %dma_start3A_162 = tpu.memref_slice %arg5[%add3A_154, %dma_start3A_161] : memref<327680x64xf32, #tpu.memory_space<hbm>> -> memref<512x32xf32, #tpu.memory_space<hbm>>
      tpu.enqueue_dma source(%arg10 : memref<512x32xf32, #tpu.memory_space<vmem>>) target(%dma_start3A_162 : memref<512x32xf32, #tpu.memory_space<hbm>>) target_semaphore(%arg14 : memref<!tpu.dma_semaphore, #tpu.memory_space<semaphore_mem>>)
      %dma_wait3A_163 = arith.constant 0 : i32
      %dma_wait3A_164 = arith.constant 0 : i32
      %dma_wait3A_165 = tpu.memref_slice %arg5[%dma_wait3A_163, %dma_wait3A_164] : memref<327680x64xf32, #tpu.memory_space<hbm>> -> memref<512x32xf32, #tpu.memory_space<hbm>>
      %dma_wait3A_166 = arith.constant 0 : i32
      %dma_wait3A_167 = arith.constant 0 : i32
      %dma_wait3A_168 = tpu.memref_slice %arg5[%dma_wait3A_166, %dma_wait3A_167] : memref<327680x64xf32, #tpu.memory_space<hbm>> -> memref<512x32xf32, #tpu.memory_space<hbm>>
      tpu.wait_dma2 semaphore(%arg14 : memref<!tpu.dma_semaphore, #tpu.memory_space<semaphore_mem>>) src(%arg9 : memref<512x32xf32, #tpu.memory_space<vmem>>) dst(%dma_wait3A_168 : memref<512x32xf32, #tpu.memory_space<hbm>>)
      %dma_wait3A_169 = arith.constant 0 : i32
      %dma_wait3A_170 = arith.constant 32 : i32
      %dma_wait3A_171 = tpu.memref_slice %arg5[%dma_wait3A_169, %dma_wait3A_170] : memref<327680x64xf32, #tpu.memory_space<hbm>> -> memref<512x32xf32, #tpu.memory_space<hbm>>
      %dma_wait3A_172 = arith.constant 0 : i32
      %dma_wait3A_173 = arith.constant 32 : i32
      %dma_wait3A_174 = tpu.memref_slice %arg5[%dma_wait3A_172, %dma_wait3A_173] : memref<327680x64xf32, #tpu.memory_space<hbm>> -> memref<512x32xf32, #tpu.memory_space<hbm>>
      tpu.wait_dma2 semaphore(%arg14 : memref<!tpu.dma_semaphore, #tpu.memory_space<semaphore_mem>>) src(%arg10 : memref<512x32xf32, #tpu.memory_space<vmem>>) dst(%dma_wait3A_174 : memref<512x32xf32, #tpu.memory_space<hbm>>)
      %add3A_175 = arith.constant 2 : i32
      %add3A_176 = arith.addi %add3A_141, %add3A_175 : i32
      %mul3A_177 = arith.constant 512 : i32
      %mul3A_178 = arith.muli %add3A_176, %mul3A_177 : i32
      %dma_start3A_179 = tpu.memref_slice %arg6[%mul3A_178] : memref<10240xi32, #tpu.memory_space<vmem>> -> memref<512xi32, #tpu.memory_space<vmem>>
      %dma_start3A_180 = arith.constant 0 : i32
      %dma_start3A_181 = arith.constant 0 : i32
      %dma_start3A_182 = tpu.memref_slice %arg3[%dma_start3A_180, %dma_start3A_181] : memref<1000000x32xf32, #tpu.memory_space<hbm>> -> memref<1000000x32xf32, #tpu.memory_space<hbm>>
      tpu.enqueue_indirect_dma source(%dma_start3A_182 : memref<1000000x32xf32, #tpu.memory_space<hbm>>) target(%arg9 : memref<512x32xf32, #tpu.memory_space<vmem>>) offsets(%dma_start3A_179 : memref<512xi32, #tpu.memory_space<vmem>>) semaphore(%arg12 : memref<!tpu.dma_semaphore, #tpu.memory_space<semaphore_mem>>)
      %dma_start3A_183 = tpu.memref_slice %arg6[%mul3A_178] : memref<10240xi32, #tpu.memory_space<vmem>> -> memref<512xi32, #tpu.memory_space<vmem>>
      %dma_start3A_184 = arith.constant 0 : i32
      %dma_start3A_185 = arith.constant 0 : i32
      %dma_start3A_186 = tpu.memref_slice %arg4[%dma_start3A_184, %dma_start3A_185] : memref<1000000x32xf32, #tpu.memory_space<hbm>> -> memref<1000000x32xf32, #tpu.memory_space<hbm>>
      tpu.enqueue_indirect_dma source(%dma_start3A_186 : memref<1000000x32xf32, #tpu.memory_space<hbm>>) target(%arg10 : memref<512x32xf32, #tpu.memory_space<vmem>>) offsets(%dma_start3A_183 : memref<512xi32, #tpu.memory_space<vmem>>) semaphore(%arg12 : memref<!tpu.dma_semaphore, #tpu.memory_space<semaphore_mem>>)
    }
    %scan3A_26 = arith.constant 9 : i32
    %dma_wait3A = arith.constant 0 : i32
    %dma_wait3A_27 = tpu.memref_slice %arg6[%dma_wait3A] : memref<10240xi32, #tpu.memory_space<vmem>> -> memref<512xi32, #tpu.memory_space<vmem>>
    %dma_wait3A_28 = arith.constant 0 : i32
    %dma_wait3A_29 = arith.constant 0 : i32
    %dma_wait3A_30 = tpu.memref_slice %arg3[%dma_wait3A_28, %dma_wait3A_29] : memref<1000000x32xf32, #tpu.memory_space<hbm>> -> memref<1000000x32xf32, #tpu.memory_space<hbm>>
    tpu.wait_indirect_dma semaphore(%arg11 : memref<!tpu.dma_semaphore, #tpu.memory_space<semaphore_mem>>) src(%dma_wait3A_30 : memref<1000000x32xf32, #tpu.memory_space<hbm>>) dst(%arg7 : memref<512x32xf32, #tpu.memory_space<vmem>>)
    %dma_wait3A_31 = arith.constant 0 : i32
    %dma_wait3A_32 = tpu.memref_slice %arg6[%dma_wait3A_31] : memref<10240xi32, #tpu.memory_space<vmem>> -> memref<512xi32, #tpu.memory_space<vmem>>
    %dma_wait3A_33 = arith.constant 0 : i32
    %dma_wait3A_34 = arith.constant 0 : i32
    %dma_wait3A_35 = tpu.memref_slice %arg4[%dma_wait3A_33, %dma_wait3A_34] : memref<1000000x32xf32, #tpu.memory_space<hbm>> -> memref<1000000x32xf32, #tpu.memory_space<hbm>>
    tpu.wait_indirect_dma semaphore(%arg11 : memref<!tpu.dma_semaphore, #tpu.memory_space<semaphore_mem>>) src(%dma_wait3A_35 : memref<1000000x32xf32, #tpu.memory_space<hbm>>) dst(%arg8 : memref<512x32xf32, #tpu.memory_space<vmem>>)
    %add3A_36 = arith.constant 9216 : i32
    %add3A_37 = arith.addi %mul3A_2, %add3A_36 : i32
    %dma_start3A_38 = arith.constant 0 : i32
    %dma_start3A_39 = tpu.memref_slice %arg5[%add3A_37, %dma_start3A_38] : memref<327680x64xf32, #tpu.memory_space<hbm>> -> memref<512x32xf32, #tpu.memory_space<hbm>>
    %dma_start3A_40 = arith.constant 0 : i32
    %dma_start3A_41 = tpu.memref_slice %arg5[%add3A_37, %dma_start3A_40] : memref<327680x64xf32, #tpu.memory_space<hbm>> -> memref<512x32xf32, #tpu.memory_space<hbm>>
    tpu.enqueue_dma source(%arg7 : memref<512x32xf32, #tpu.memory_space<vmem>>) target(%dma_start3A_41 : memref<512x32xf32, #tpu.memory_space<hbm>>) target_semaphore(%arg13 : memref<!tpu.dma_semaphore, #tpu.memory_space<semaphore_mem>>)
    %dma_start3A_42 = arith.constant 32 : i32
    %dma_start3A_43 = tpu.memref_slice %arg5[%add3A_37, %dma_start3A_42] : memref<327680x64xf32, #tpu.memory_space<hbm>> -> memref<512x32xf32, #tpu.memory_space<hbm>>
    %dma_start3A_44 = arith.constant 32 : i32
    %dma_start3A_45 = tpu.memref_slice %arg5[%add3A_37, %dma_start3A_44] : memref<327680x64xf32, #tpu.memory_space<hbm>> -> memref<512x32xf32, #tpu.memory_space<hbm>>
    tpu.enqueue_dma source(%arg8 : memref<512x32xf32, #tpu.memory_space<vmem>>) target(%dma_start3A_45 : memref<512x32xf32, #tpu.memory_space<hbm>>) target_semaphore(%arg13 : memref<!tpu.dma_semaphore, #tpu.memory_space<semaphore_mem>>)
    %dma_wait3A_46 = arith.constant 0 : i32
    %dma_wait3A_47 = arith.constant 0 : i32
    %dma_wait3A_48 = tpu.memref_slice %arg5[%dma_wait3A_46, %dma_wait3A_47] : memref<327680x64xf32, #tpu.memory_space<hbm>> -> memref<512x32xf32, #tpu.memory_space<hbm>>
    %dma_wait3A_49 = arith.constant 0 : i32
    %dma_wait3A_50 = arith.constant 0 : i32
    %dma_wait3A_51 = tpu.memref_slice %arg5[%dma_wait3A_49, %dma_wait3A_50] : memref<327680x64xf32, #tpu.memory_space<hbm>> -> memref<512x32xf32, #tpu.memory_space<hbm>>
    tpu.wait_dma2 semaphore(%arg13 : memref<!tpu.dma_semaphore, #tpu.memory_space<semaphore_mem>>) src(%arg7 : memref<512x32xf32, #tpu.memory_space<vmem>>) dst(%dma_wait3A_51 : memref<512x32xf32, #tpu.memory_space<hbm>>)
    %dma_wait3A_52 = arith.constant 0 : i32
    %dma_wait3A_53 = arith.constant 32 : i32
    %dma_wait3A_54 = tpu.memref_slice %arg5[%dma_wait3A_52, %dma_wait3A_53] : memref<327680x64xf32, #tpu.memory_space<hbm>> -> memref<512x32xf32, #tpu.memory_space<hbm>>
    %dma_wait3A_55 = arith.constant 0 : i32
    %dma_wait3A_56 = arith.constant 32 : i32
    %dma_wait3A_57 = tpu.memref_slice %arg5[%dma_wait3A_55, %dma_wait3A_56] : memref<327680x64xf32, #tpu.memory_space<hbm>> -> memref<512x32xf32, #tpu.memory_space<hbm>>
    tpu.wait_dma2 semaphore(%arg13 : memref<!tpu.dma_semaphore, #tpu.memory_space<semaphore_mem>>) src(%arg8 : memref<512x32xf32, #tpu.memory_space<vmem>>) dst(%dma_wait3A_57 : memref<512x32xf32, #tpu.memory_space<hbm>>)
    %dma_wait3A_58 = arith.constant 0 : i32
    %dma_wait3A_59 = tpu.memref_slice %arg6[%dma_wait3A_58] : memref<10240xi32, #tpu.memory_space<vmem>> -> memref<512xi32, #tpu.memory_space<vmem>>
    %dma_wait3A_60 = arith.constant 0 : i32
    %dma_wait3A_61 = arith.constant 0 : i32
    %dma_wait3A_62 = tpu.memref_slice %arg3[%dma_wait3A_60, %dma_wait3A_61] : memref<1000000x32xf32, #tpu.memory_space<hbm>> -> memref<1000000x32xf32, #tpu.memory_space<hbm>>
    tpu.wait_indirect_dma semaphore(%arg12 : memref<!tpu.dma_semaphore, #tpu.memory_space<semaphore_mem>>) src(%dma_wait3A_62 : memref<1000000x32xf32, #tpu.memory_space<hbm>>) dst(%arg9 : memref<512x32xf32, #tpu.memory_space<vmem>>)
    %dma_wait3A_63 = arith.constant 0 : i32
    %dma_wait3A_64 = tpu.memref_slice %arg6[%dma_wait3A_63] : memref<10240xi32, #tpu.memory_space<vmem>> -> memref<512xi32, #tpu.memory_space<vmem>>
    %dma_wait3A_65 = arith.constant 0 : i32
    %dma_wait3A_66 = arith.constant 0 : i32
    %dma_wait3A_67 = tpu.memref_slice %arg4[%dma_wait3A_65, %dma_wait3A_66] : memref<1000000x32xf32, #tpu.memory_space<hbm>> -> memref<1000000x32xf32, #tpu.memory_space<hbm>>
    tpu.wait_indirect_dma semaphore(%arg12 : memref<!tpu.dma_semaphore, #tpu.memory_space<semaphore_mem>>) src(%dma_wait3A_67 : memref<1000000x32xf32, #tpu.memory_space<hbm>>) dst(%arg10 : memref<512x32xf32, #tpu.memory_space<vmem>>)
    %add3A_68 = arith.constant 9728 : i32
    %add3A_69 = arith.addi %mul3A_2, %add3A_68 : i32
    %dma_start3A_70 = arith.constant 0 : i32
    %dma_start3A_71 = tpu.memref_slice %arg5[%add3A_69, %dma_start3A_70] : memref<327680x64xf32, #tpu.memory_space<hbm>> -> memref<512x32xf32, #tpu.memory_space<hbm>>
    %dma_start3A_72 = arith.constant 0 : i32
    %dma_start3A_73 = tpu.memref_slice %arg5[%add3A_69, %dma_start3A_72] : memref<327680x64xf32, #tpu.memory_space<hbm>> -> memref<512x32xf32, #tpu.memory_space<hbm>>
    tpu.enqueue_dma source(%arg9 : memref<512x32xf32, #tpu.memory_space<vmem>>) target(%dma_start3A_73 : memref<512x32xf32, #tpu.memory_space<hbm>>) target_semaphore(%arg14 : memref<!tpu.dma_semaphore, #tpu.memory_space<semaphore_mem>>)
    %dma_start3A_74 = arith.constant 32 : i32
    %dma_start3A_75 = tpu.memref_slice %arg5[%add3A_69, %dma_start3A_74] : memref<327680x64xf32, #tpu.memory_space<hbm>> -> memref<512x32xf32, #tpu.memory_space<hbm>>
    %dma_start3A_76 = arith.constant 32 : i32
    %dma_start3A_77 = tpu.memref_slice %arg5[%add3A_69, %dma_start3A_76] : memref<327680x64xf32, #tpu.memory_space<hbm>> -> memref<512x32xf32, #tpu.memory_space<hbm>>
    tpu.enqueue_dma source(%arg10 : memref<512x32xf32, #tpu.memory_space<vmem>>) target(%dma_start3A_77 : memref<512x32xf32, #tpu.memory_space<hbm>>) target_semaphore(%arg14 : memref<!tpu.dma_semaphore, #tpu.memory_space<semaphore_mem>>)
    %dma_wait3A_78 = arith.constant 0 : i32
    %dma_wait3A_79 = arith.constant 0 : i32
    %dma_wait3A_80 = tpu.memref_slice %arg5[%dma_wait3A_78, %dma_wait3A_79] : memref<327680x64xf32, #tpu.memory_space<hbm>> -> memref<512x32xf32, #tpu.memory_space<hbm>>
    %dma_wait3A_81 = arith.constant 0 : i32
    %dma_wait3A_82 = arith.constant 0 : i32
    %dma_wait3A_83 = tpu.memref_slice %arg5[%dma_wait3A_81, %dma_wait3A_82] : memref<327680x64xf32, #tpu.memory_space<hbm>> -> memref<512x32xf32, #tpu.memory_space<hbm>>
    tpu.wait_dma2 semaphore(%arg14 : memref<!tpu.dma_semaphore, #tpu.memory_space<semaphore_mem>>) src(%arg9 : memref<512x32xf32, #tpu.memory_space<vmem>>) dst(%dma_wait3A_83 : memref<512x32xf32, #tpu.memory_space<hbm>>)
    %dma_wait3A_84 = arith.constant 0 : i32
    %dma_wait3A_85 = arith.constant 32 : i32
    %dma_wait3A_86 = tpu.memref_slice %arg5[%dma_wait3A_84, %dma_wait3A_85] : memref<327680x64xf32, #tpu.memory_space<hbm>> -> memref<512x32xf32, #tpu.memory_space<hbm>>
    %dma_wait3A_87 = arith.constant 0 : i32
    %dma_wait3A_88 = arith.constant 32 : i32
    %dma_wait3A_89 = tpu.memref_slice %arg5[%dma_wait3A_87, %dma_wait3A_88] : memref<327680x64xf32, #tpu.memory_space<hbm>> -> memref<512x32xf32, #tpu.memory_space<hbm>>
    tpu.wait_dma2 semaphore(%arg14 : memref<!tpu.dma_semaphore, #tpu.memory_space<semaphore_mem>>) src(%arg10 : memref<512x32xf32, #tpu.memory_space<vmem>>) dst(%dma_wait3A_89 : memref<512x32xf32, #tpu.memory_space<hbm>>)
    return
  }
}

</mosaic_0001>

<sc_bundles>
// kernel: _combine.3.cloned.1.call-start
scs
__scs_entry_jumppad:
0x0: {  	(pc) =	sbr.rel $0x88, $3  }
0x1: {  	(tag) =	ssettag $0x0;
	lr =	simm.s32 $0x1  }
0x2: {  	[smem:$0x3F9E] =	sst lr;
	_ =	strace $0xD0000000  }
0x3: {  	_ = 	snop  }
0x4: {  	_ = 	snop  }
0x5: {  	_ = 	snop  }
0x6: {  	_ = 	snop  }
0x7: {  	_ = 	snop  }
__scs_overlays_trampoline_lowered:
0x8: {  	[smem:$0x3FAD] =	sst s0  }
0x9: {  	[smem:$0x3FAE] =	sst s1  }
0xa: {  	[smem:$0x3FAF] =	sst s2  }
0xb: {  	[smem:$0x3FB0] =	sst s3  }
0xc: {  	[smem:$0x3FB1] =	sst s4  }
0xd: {  	[smem:$0x3FB2] =	sst s5  }
0xe: {  	[smem:$0x3FB3] =	sst s6  }
0xf: {  	[smem:$0x3FB4] =	sst s7  }
0x10: {  	[smem:$0x3FB5] =	sst s8  }
0x11: {  	[smem:$0x3FB6] =	sst s9;
	s0 =	simm.s32 @!p0 $0x0  }
0x12: {  	s1 =	sld [smem:$0x3F9C];
	s0 =	simm.s32 @p0 $0x1  }
0x13: {  	[smem:$0x3FB7] =	sst s0;
	s0 =	simm.s32 @!p1 $0x0  }
0x14: {  	s2 =	sld [smem:$0x3F9B];
	s0 =	simm.s32 @p1 $0x1  }
0x15: {  	[smem:$0x3FB8] =	sst s0;
	s0 =	simm.s32 @!p2 $0x0  }
0x16: {  	s3 =	sld [smem:$0x3FDB];
	s0 =	simm.s32 @p2 $0x1  }
0x17: {  	s4 =	simm.s32 $0x1BF5;
	[smem:$0x3FBA] =	sst s0  }
0x18: {  	s0 =	sld [smem:$0x3F9D];
	_ =	swait.ge [sflag:s4], $0x0  }
0x19: {  	s7 =	sld [smem:$0x3F9E]  }
0x1a: {  	s8 =	sadd.s32 $0xFFFFE003, lr  }
0x1b: {  	s9 =	sadd.s32 $0xFFFFFEF7, lr;
	s5 =	simm.s32 $0xFFFFFFFF;
	p2 =	slt.u32 s8, $0xFFFFF086  }
0x1c: {  	p1 =	slt.u32 s9, $0xF7A;
	s5 =	simm.s32 @!p2 $0x0  }
0x1d: {  	s5 =	simm.s32 @p1 $0x1;
	p0 =	seq.s32 s7, s2  }
0x1e: {  	s7 =	smul.u32 @!p0 $0xF7A, s2;
	p2 =	seq.s32 @!p0 s5, $0x0  }
0x1f: {  	s9 =	smul.u32 $0xF7A, s1;
	s8 =	simm.s32 @!p0 $0x1BF5;
	p2 =	por !p2, p0  }
0x20: {  	[sflag:s8] =	ssyncset.s32 @!p0 $0xFFFFF086;
	s6 =	sadd.s32 @!p0 s3, s7;
	s7 =	simm.s32 @!p0 $0x108  }
0x21: {  	s3 =	sadd.s32 s3, s9;
	s6 =	sadd.s32 @!p0 $0x88, s6;
	s7 =	simm.s32 @p2 $0x1082  }
0x22: {  	[simem:s7], [sflag:s8] =	dma.local @!p0 [hbm:s6], $0xF7A  }
0x23: {  	s9 =	sor.u32 $0xD0000000, s2;
	s6 =	simm.s32 $0x108;
	_ =	swait.ge @!p0 [sflag:s8], $0x0  }
0x24: {  	s3 =	sadd.s32 $0x88, s3;
	s6 =	simm.s32 @!p1 $0x1082;
	[sflag:s4] =	ssyncset.s32 $0xFFFFF086  }
0x25: {  	[simem:s6], [sflag:s4] =	dma.local [hbm:s3], $0xF7A  }
0x26: {  	[smem:$0x3F9E] =	sst s1;
	(tag) =	ssettag s2;
	_ =	strace s9  }
0x27: {  	s1 =	sld [smem:$0x3FAE]  }
0x28: {  	s2 =	sld [smem:$0x3FAF]  }
0x29: {  	s4 =	sld [smem:$0x3FB1]  }
0x2a: {  	p0 =	seq.s32 s5, $0x0;
	s5 =	sld [smem:$0x3FB2]  }
0x2b: {  	s6 =	sld [smem:$0x3FB3]  }
0x2c: {  	s7 =	sld [smem:$0x3FB4]  }
0x2d: {  	s3 =	simm.s32 $0x108;
	s8 =	sld [smem:$0x3FB5]  }
0x2e: {  	s3 =	simm.s32 @!p0 $0x1082;
	s9 =	sld [smem:$0x3FB6]  }
0x2f: {  	lr =	sadd.s32 s0, s3;
	s0 =	sld [smem:$0x3FAD]  }
0x30: {  	s3 =	sld [smem:$0x3FB0]  }
0x31: {  	[smem:$0x3FB9] =	sst s10  }
0x32: {  	s10 =	sld [smem:$0x3FB7];
	_ =	sdelay $0x3  }
0x33: {  	p0 =	seq.s32 s10, $0x1;
	s10 =	sld [smem:$0x3FB9];
	_ =	sdelay $0x3  }
0x34: {  	[smem:$0x3FB9] =	sst s10  }
0x35: {  	s10 =	sld [smem:$0x3FB8];
	_ =	sdelay $0x3  }
0x36: {  	p1 =	seq.s32 s10, $0x1;
	s10 =	sld [smem:$0x3FB9];
	_ =	sdelay $0x3  }
0x37: {  	[smem:$0x3FB9] =	sst s10  }
0x38: {  	s10 =	sld [smem:$0x3FBA]  }
0x39: {  	_ = 	snop;
	(pc) =	sbr.ind lr, $3  }
0x3a: {  	_ = 	snop  }
0x3b: {  	_ = 	snop  }
0x3c: {  	p2 =	seq.s32 s10, $0x1;
	s10 =	sld [smem:$0x3FB9]  }
0x3d: {  	_ =	shalt  }
0x3e: {  	_ =	shalt  }
0x3f: {  	_ =	shalt  }
0x40: {  	_ =	shalt  }
0x41: {  	_ =	shalt  }
0x42: {  	_ =	shalt  }
0x43: {  	_ =	shalt  }
0x44: {  	_ =	shalt  }
0x45: {  	_ =	shalt  }
0x46: {  	_ =	shalt  }
0x47: {  	_ =	shalt  }
0x48: {  	_ =	shalt  }
0x49: {  	_ =	shalt  }
0x4a: {  	_ =	shalt  }
0x4b: {  	_ =	shalt  }
0x4c: {  	_ =	shalt  }
0x4d: {  	_ =	shalt  }
0x4e: {  	_ =	shalt  }
0x4f: {  	_ =	shalt  }
0x50: {  	_ =	shalt  }
0x51: {  	_ =	shalt  }
0x52: {  	_ =	shalt  }
0x53: {  	_ =	shalt  }
0x54: {  	_ =	shalt  }
0x55: {  	_ =	shalt  }
0x56: {  	_ =	shalt  }
0x57: {  	_ =	shalt  }
0x58: {  	_ =	shalt  }
0x59: {  	_ =	shalt  }
0x5a: {  	_ =	shalt  }
0x5b: {  	_ =	shalt  }
0x5c: {  	_ =	shalt  }
0x5d: {  	_ =	shalt  }
0x5e: {  	_ =	shalt  }
0x5f: {  	_ =	shalt  }
0x60: {  	_ =	shalt  }
0x61: {  	_ =	shalt  }
0x62: {  	_ =	shalt  }
0x63: {  	_ =	shalt  }
0x64: {  	_ =	shalt  }
0x65: {  	_ =	shalt  }
0x66: {  	_ =	shalt  }
0x67: {  	_ =	shalt  }
0x68: {  	_ =	shalt  }
0x69: {  	_ =	shalt  }
0x6a: {  	_ =	shalt  }
0x6b: {  	_ =	shalt  }
0x6c: {  	_ =	shalt  }
0x6d: {  	_ =	shalt  }
0x6e: {  	_ =	shalt  }
0x6f: {  	_ =	shalt  }
0x70: {  	_ =	shalt  }
0x71: {  	_ =	shalt  }
0x72: {  	_ =	shalt  }
0x73: {  	_ =	shalt  }
0x74: {  	_ =	shalt  }
0x75: {  	_ =	shalt  }
0x76: {  	_ =	shalt  }
0x77: {  	_ =	shalt  }
0x78: {  	_ =	shalt  }
0x79: {  	_ =	shalt  }
0x7a: {  	_ =	shalt  }
0x7b: {  	_ =	shalt  }
0x7c: {  	_ =	shalt  }
0x7d: {  	_ =	shalt  }
0x7e: {  	_ =	shalt  }
0x7f: {  	_ =	shalt  }
0x80: {  	_ =	shalt  }
0x81: {  	_ =	shalt  }
0x82: {  	_ =	shalt  }
0x83: {  	_ =	shalt  }
0x84: {  	_ =	shalt  }
0x85: {  	_ =	shalt  }
0x86: {  	_ =	shalt  }
0x87: {  	_ =	shalt  }
.Lfunc_end0:
.L_simem_size_0:
called_computation.1_lowered:
.L_overlay_start_0:
0x88: {  	s2 =	sld [smem:$0x3FD9]  }
0x89: {  	s3 =	sld [smem:$0x3FFE];
	_ =	sdelay $0x1  }
0x8a: {  	s1 =	srdreg.scid  }
0x8b: {  	s0 =	sand.u32 $0x1, s1  }
0x8c: {  	s17 =	sshll.u32 s0, $0xA;
	s2 =	sadd.s32 s3, s2  }
0x8d: {  	s2 =	sadd.s32 s2, s17  }
0x8e: {  	[smem:$0x3FC5] =	sst s2  }
0x8f: {  	_ = 	snop  }
0x90: {  	s2 =	sld [smem:$0x3FC9]  }
0x91: {  	s18 =	sld [smem:$0x3FD0];
	(tm) =	ssettm $0x1  }
0x92: {  	s4 =	sld [smem:$0x3FFB];
	_ =	sdelay $0x3  }
0x93: {  	_ =	strace s4  }
0x94: {  	s4 =	sld [smem:$0x3FFC];
	_ =	sdelay $0x3  }
0x95: {  	_ =	strace s4  }
0x96: {  	s4 =	sld [smem:$0x3FFD];
	_ =	sdelay $0x3  }
0x97: {  	_ =	strace s4  }
0x98: {  	_ =	strace $0x8FFFFFFF  }
0x99: {  	s19 =	sld [smem:$0x3FDB];
	_ =	sdelay $0x1  }
0x9a: {  	s5 =	simm.s32 $_scs_section_size  }
0x9b: {  	s6 =	simm.s32 $_size__tile_overlayer_lowered;
	s7 =	simm.s32 $_tile_overlayer_lowered  }
0x9c: {  	s22 =	simm.s32 $0x1BFF;
	s21 =	sshll.u32 s7, $0x1;
	s4 =	sadd.s32 s5, s19  }
0x9d: {  	s8 =	simm.s32 $0x0;
	s20 =	sshll.u32 s6, $0x1;
	s6 =	sadd.s32 s21, s4  }
0x9e: {  	[timem:s8], [sflag:s22] =	dma.local [hbm:s6], s20  }
0x9f: {  	_ =	swait.ge [sflag:s22], s20  }
0xa0: {  	s5 =	ssub.s32 $0x0, s20;
	[sflag:s22] =	ssyncset.done $0x0  }
0xa1: {  	[sflag:s22] =	ssyncadd.s32 s5;
	_ =	sdelay $0x1  }
0xa2: {  	s23 =	simm.s32 $0x1B8B  }
0xa3: {  	_ =	swait.ge [sflag:s23], $0x1  }
0xa4: {  	[sflag:s23] =	ssyncset.done $0x0  }
0xa5: {  	s25 =	simm.s32 $0x1B8E;
	s24 =	sld [smem:$0x3FFE];
	[sflag:s23] =	ssyncadd.s32 $0xFFFFFFFF  }
0xa6: {  	s26 =	simm.s32 $execute0_lowered;
	[smem:$0x3FD2] =	sst s25  }
0xa7: {  	s6 =	sshll.u32 s26, $0x1;
	_ =	strace $0x80000046;
	[dreg:$0x1] =	wrdreg $0xFFFFFFFF  }
0xa8: {  	s28 =	simm.s32 $_size_execute0_lowered;
	s4 =	sadd.s32 s4, s6;
	[dreg:$0x0] =	wrdreg $0x0  }
0xa9: {  	s6 =	sshll.u32 s28, $0x1;
	[dreg:$0x2] =	wrdreg s4  }
0xaa: {  	[dreg:$0x3] =	wrdreg s6  }
0xab: {  	[dreg:$0x4] =	wrdreg $0xC0  }
0xac: {  	_ =	task [dreg:s8], $0x5FFFF  }
0xad: {  	[dreg:$0x1] =	wrdreg $0xFFFFFFFF  }
0xae: {  	[dreg:$0x0] =	wrdreg $0x60  }
0xaf: {  	[dreg:$0x2] =	wrdreg s2  }
0xb0: {  	[dreg:$0x3] =	wrdreg s24  }
0xb1: {  	[dreg:$0x4] =	wrdreg s18  }
0xb2: {  	[dreg:$0x5] =	wrdreg $0x9  }
0xb3: {  	_ =	task.clear_ibuf [dreg:s8], $0x6FFFF;
	_ =	strace $0x90000046  }
0xb4: {  	s29 =	simm.s32 $0x9;
	_ =	strace $0x80000048  }
0xb5: {  	_ =	swait.ge [sflag:s29], $0x1  }
0xb6: {  	[sflag:s29] =	ssyncadd.s32 $0xFFFFFFFF  }
0xb7: {  	_ =	strace $0x90000048  }
0xb8: {  	_ =	sfence  }
0xb9: {  	s30 =	sld [smem:$0x0];
	_ =	sdelay $0x2  }
0xba: {  	s31 =	sshll.u32 s1, $0xD;
	s1 =	sshrl.u32 s1, $0x2  }
0xbb: {  	s3 =	sand.u32 $0x4000, s31;
	s1 =	sadd.s32 s1, s30  }
0xbc: {  	s0 =	sor.u32 s3, s0;
	s1 =	sshll.u32 s1, $0x11  }
0xbd: {  	s0 =	sor.u32 s1, s0  }
0xbe: {  	s0 =	sadd.s32 $0x8F2B, s0  }
0xbf: {  	[sflag:s0] =	ssyncadd.remote.s32 $0x1  }
0xc0: {  	_ =	sfence.sel $0xFFFF  }
0xc1: {  	[dreg:$0x0] =	wrdreg $0xFFFFFFFF;
	(pc) =	sbr.abs _section_cstart, $3  }
0xc2: {  	[dreg:$0x1] =	wrdreg $0xFFFFFFFF  }
0xc3: {  	_ =	task.clear_ibuf [dreg:s8], $0x2FFFF;
	_ =	strace $0x9FFFFFFF  }
0xc4: {  	(tm) =	ssettm $0x7FFFFFFF  }
0xc5: {  	_ =	shalt  }
tec
execute0_lowered:
.L_overlay_start_1:
0x0: {  	(tag) =	ssettag $0x1  }
0x1: {  	s5 =	rddreg [dreg:$0x0]  }
0x2: {  	s4 =	rddreg [dreg:$0x1]  }
0x3: {  	s12 =	rddreg [dreg:$0x2]  }
0x4: {  	s0 =	rddreg [dreg:$0x3]  }
0x5: {  	s3 =	srdreg.scid;
	s1 =	stileid.u32;
	s2 =	simm.s32 $0x0  }
0x6: {  	s17 =	simm.s32 $0xA800;
	s18 =	simm.s32 $0xE800;
	s19 =	simm.s32 $0x1  }
0x7: {  	s20 =	simm.s32 $0x20;
	s21 =	simm.s32 $0x40;
	s22 =	simm.s32 $0x3  }
0x8: {  	s23 =	simm.s32 $0x2;
	s24 =	simm.s32 $0x4;
	s13 =	smul.u32 $0x140000, s1  }
0x9: {  	s25 =	simm.s32 $0x0;
	s10 =	sand.u32 $0x1, s3;
	s15 =	smul.u32 $0x28000, s1  }
0xa: {  	s29 =	sshll.u32 s1, $0x1;
	[smem:$0x7FF] =	sst s2;
	s14 =	smul.u32 $0xA0000, s10  }
0xb: {  	s3 =	sadd.s32 $0xF42C00, s4;
	s6 =	sor.u32 s10, s29;
	s16 =	smul.u32 $0x14000, s10  }
0xc: {  	s4 =	sadd.s32 $0x1313600, s4;
	s8 =	ssub.s32 $0x2, s10;
	s7 =	smul.u32 $0xA0000, s6  }
0xd: {  	_ =	strace $0x80000047;
	s9 =	sshrl.u32 s8, $0x1;
	s6 =	smul.u32 $0x500, s6  }
0xe: {  	s31 =	sadd.s32 s15, s12;
	s15 =	simm.s32 $0x2800;
	s11 =	ssub.s32 s8, s9  }
0xf: {  	s13 =	sadd.s32 s14, s13;
	s14 =	simm.s32 $0x200;
	s7 =	sshrl.u32 s7, $0x3  }
0x10: {  	s5 =	sadd.s32 s5, s6;
	s10 =	smax.u32 s11, $0x1;
	s13 =	sshrl.u32 s13, $0x3  }
0x11: {  	s11 =	sadd.s32 s16, s31;
	s16 =	simm.s32 $0x6800;
	s30 =	sadd.s32 s12, s7  }
0x12: {  	s12 =	sadd.s32 s13, s12;
	s13 =	simm.s32 $0x5;
	s6 =	sadd.s32 $0x12000, s30  }
0x13: {  	s7 =	sadd.s32 $0x12004, s30;
	s8 =	sadd.s32 $0x13000, s30;
	s9 =	sadd.s32 $0x13004, s30  }
.LBB2_1:
0x14: {  	[tilespmem:s2], [sflag:$0x5] =	stream.linear.gather [hbm4b:s5+s2], $0x2800, $0x38;
	[tilespmem:$0x12800] =	vst v63  }
0x15: {  	_ =	swait.ge [sflag:s13], $0x2800  }
0x16: {  	[sflag:s13] =	ssyncset.done $0x0  }
0x17: {  	[sflag:s13] =	ssyncadd.s32 $0xFFFFD800  }
0x18: {  	[tilespmem:s15], [sflag:$0x1] =	stream.indirect.gather [hbm4b:s3+s14], $0x20, s2, s14, $0xb8;
	[tilespmem:$0x12800] =	vst v63  }
0x19: {  	_ = 	snop  }
0x1a: {  	[tilespmem:s16], [sflag:$0x1] =	stream.indirect.gather [hbm4b:s4+s14], $0x20, s2, s14, $0xb8;
	[tilespmem:$0x12800] =	vst v63  }
0x1b: {  	_ = 	snop  }
0x1c: {  	[tilespmem:s17], [sflag:$0x2] =	stream.indirect.gather [hbm4b:s3+s14], $0x20, s14, s14, $0xb8;
	[tilespmem:$0x12800] =	vst v63  }
0x1d: {  	_ = 	snop  }
0x1e: {  	[tilespmem:s18], [sflag:$0x2] =	stream.indirect.gather [hbm4b:s4+s14], $0x20, s14, s14, $0xb8;
	[tilespmem:$0x12800] =	vst v63  }
0x1f: {  	_ =	swait.ge [sflag:s19], $0x4000  }
0x20: {  	[sflag:s19] =	ssyncset.done $0x0  }
0x21: {  	[sflag:s19] =	ssyncadd.s32 $0xFFFFC000  }
0x22: {  	_ =	swait.ge [sflag:s19], $0x4000  }
0x23: {  	[sflag:s19] =	ssyncset.done $0x0  }
0x24: {  	s26 =	sadd.s32 $0x0, s12;
	[sflag:s19] =	ssyncadd.s32 $0xFFFFC000  }
0x25: {  	[hbm4b:s26+s20] =	stream.strided.scatter [tilespmem:s15], [sflag:$0x3], $0x4000, s21, s20, $0x38;
	[tilespmem:$0x12800] =	vst v63  }
0x26: {  	s26 =	sadd.s32 $0x4, s26  }
0x27: {  	[hbm4b:s26+s20] =	stream.strided.scatter [tilespmem:s16], [sflag:$0x3], $0x4000, s21, s20, $0x38;
	[tilespmem:$0x12800] =	vst v63  }
0x28: {  	_ =	swait.ge [sflag:s22], $0x4000  }
0x29: {  	[sflag:s22] =	ssyncset.done $0x0  }
0x2a: {  	[sflag:s22] =	ssyncadd.s32 $0xFFFFC000  }
0x2b: {  	_ =	swait.ge [sflag:s22], $0x4000  }
0x2c: {  	[sflag:s22] =	ssyncset.done $0x0  }
0x2d: {  	s30 =	simm.s32 $0x400;
	[sflag:s22] =	ssyncadd.s32 $0xFFFFC000  }
0x2e: {  	[tilespmem:s15], [sflag:$0x1] =	stream.indirect.gather [hbm4b:s3+s14], $0x20, s30, s14, $0xb8;
	[tilespmem:$0x12800] =	vst v63  }
0x2f: {  	_ = 	snop  }
0x30: {  	[tilespmem:s16], [sflag:$0x1] =	stream.indirect.gather [hbm4b:s4+s14], $0x20, s30, s14, $0xb8;
	[tilespmem:$0x12800] =	vst v63  }
0x31: {  	_ =	swait.ge [sflag:s23], $0x4000  }
0x32: {  	[sflag:s23] =	ssyncset.done $0x0  }
0x33: {  	[sflag:s23] =	ssyncadd.s32 $0xFFFFC000  }
0x34: {  	_ =	swait.ge [sflag:s23], $0x4000  }
0x35: {  	s31 =	sadd.s32 $0x0, s11;
	[sflag:s23] =	ssyncset.done $0x0  }
0x36: {  	s28 =	sadd.s32 $0x1000, s31;
	[sflag:s23] =	ssyncadd.s32 $0xFFFFC000  }
0x37: {  	[hbm4b:s28+s20] =	stream.strided.scatter [tilespmem:s17], [sflag:$0x4], $0x4000, s21, s20, $0x38;
	[tilespmem:$0x12800] =	vst v63  }
0x38: {  	s26 =	sadd.s32 $0x1004, s31  }
0x39: {  	[hbm4b:s26+s20] =	stream.strided.scatter [tilespmem:s18], [sflag:$0x4], $0x4000, s21, s20, $0x38;
	[tilespmem:$0x12800] =	vst v63  }
0x3a: {  	_ =	swait.ge [sflag:s24], $0x4000  }
0x3b: {  	[sflag:s24] =	ssyncset.done $0x0  }
0x3c: {  	[sflag:s24] =	ssyncadd.s32 $0xFFFFC000  }
0x3d: {  	_ =	swait.ge [sflag:s24], $0x4000  }
0x3e: {  	s29 =	simm.s32 $0xA00;
	[sflag:s24] =	ssyncset.done $0x0  }
0x3f: {  	s28 =	simm.s32 $0x2000;
	s26 =	simm.s32 $0x600;
	[sflag:s24] =	ssyncadd.s32 $0xFFFFC000  }
0x40: {  	[tilespmem:s17], [sflag:$0x2] =	stream.indirect.gather [hbm4b:s3+s14], $0x20, s26, s14, $0xb8;
	[tilespmem:$0x12800] =	vst v63  }
.LBB2_2:
0x41: {  	[tilespmem:s18], [sflag:$0x2] =	stream.indirect.gather [hbm4b:s4+s14], $0x20, s26, s14, $0xb8;
	[tilespmem:$0x12800] =	vst v63  }
0x42: {  	s30 =	smov.u32 s28;
	s26 =	smov.u32 s29  }
0x43: {  	p0 =	sne.s32 s28, $0x10000;
	s28 =	sadd.s32 $0x2000, s28;
	_ =	swait.ge [sflag:s19], $0x4000  }
0x44: {  	[sflag:s19] =	ssyncset.done $0x0  }
0x45: {  	[sflag:s19] =	ssyncadd.s32 $0xFFFFC000  }
0x46: {  	_ =	swait.ge [sflag:s19], $0x4000  }
0x47: {  	[sflag:s19] =	ssyncset.done $0x0  }
0x48: {  	s31 =	sadd.s32 s30, s12;
	[sflag:s19] =	ssyncadd.s32 $0xFFFFC000  }
0x49: {  	[hbm4b:s31+s20] =	stream.strided.scatter [tilespmem:s15], [sflag:$0x3], $0x4000, s21, s20, $0x38;
	[tilespmem:$0x12800] =	vst v63  }
0x4a: {  	s31 =	sadd.s32 $0x4, s31  }
0x4b: {  	[hbm4b:s31+s20] =	stream.strided.scatter [tilespmem:s16], [sflag:$0x3], $0x4000, s21, s20, $0x38;
	[tilespmem:$0x12800] =	vst v63  }
0x4c: {  	_ =	swait.ge [sflag:s22], $0x4000  }
0x4d: {  	[sflag:s22] =	ssyncset.done $0x0  }
0x4e: {  	[sflag:s22] =	ssyncadd.s32 $0xFFFFC000  }
0x4f: {  	_ =	swait.ge [sflag:s22], $0x4000  }
0x50: {  	[sflag:s22] =	ssyncset.done $0x0  }
0x51: {  	s31 =	sadd.s32 $0xFFFFFE00, s29;
	[sflag:s22] =	ssyncadd.s32 $0xFFFFC000  }
0x52: {  	[tilespmem:s15], [sflag:$0x1] =	stream.indirect.gather [hbm4b:s3+s14], $0x20, s31, s14, $0xb8;
	[tilespmem:$0x12800] =	vst v63  }
0x53: {  	_ = 	snop  }
0x54: {  	[tilespmem:s16], [sflag:$0x1] =	stream.indirect.gather [hbm4b:s4+s14], $0x20, s31, s14, $0xb8;
	[tilespmem:$0x12800] =	vst v63  }
0x55: {  	_ =	swait.ge [sflag:s23], $0x4000  }
0x56: {  	[sflag:s23] =	ssyncset.done $0x0  }
0x57: {  	[sflag:s23] =	ssyncadd.s32 $0xFFFFC000  }
0x58: {  	_ =	swait.ge [sflag:s23], $0x4000  }
0x59: {  	s30 =	sadd.s32 s30, s11;
	[sflag:s23] =	ssyncset.done $0x0  }
0x5a: {  	s31 =	sadd.s32 $0x1000, s30;
	[sflag:s23] =	ssyncadd.s32 $0xFFFFC000  }
0x5b: {  	[hbm4b:s31+s20] =	stream.strided.scatter [tilespmem:s17], [sflag:$0x4], $0x4000, s21, s20, $0x38;
	[tilespmem:$0x12800] =	vst v63  }
0x5c: {  	s30 =	sadd.s32 $0x1004, s30  }
0x5d: {  	[hbm4b:s30+s20] =	stream.strided.scatter [tilespmem:s18], [sflag:$0x4], $0x4000, s21, s20, $0x38;
	[tilespmem:$0x12800] =	vst v63  }
0x5e: {  	_ =	swait.ge [sflag:s24], $0x4000  }
0x5f: {  	[sflag:s24] =	ssyncset.done $0x0  }
0x60: {  	[sflag:s24] =	ssyncadd.s32 $0xFFFFC000  }
.Ltmp0:
0x61: {  	_ =	swait.ge [sflag:s24], $0x4000;
	(pc) =	sbr.rel @p0 .LBB2_2-.Ltmp0, $4  }
0x62: {  	[sflag:s24] =	ssyncset.done $0x0  }
0x63: {  	[sflag:s24] =	ssyncadd.s32 $0xFFFFC000  }
0x64: {  	[tilespmem:s17], [sflag:$0x2] =	stream.indirect.gather [hbm4b:s3+s14], $0x20, s29, s14, $0xb8;
	[tilespmem:$0x12800] =	vst v63  }
0x65: {  	s29 =	sadd.s32 $0x400, s29  }
0x66: {  	[tilespmem:s18], [sflag:$0x2] =	stream.indirect.gather [hbm4b:s4+s14], $0x20, s26, s14, $0xb8;
	[tilespmem:$0x12800] =	vst v63  }
0x67: {  	_ =	swait.ge [sflag:s19], $0x4000  }
0x68: {  	[sflag:s19] =	ssyncset.done $0x0  }
0x69: {  	[sflag:s19] =	ssyncadd.s32 $0xFFFFC000  }
0x6a: {  	_ =	swait.ge [sflag:s19], $0x4000  }
0x6b: {  	[sflag:s19] =	ssyncset.done $0x0  }
0x6c: {  	[sflag:s19] =	ssyncadd.s32 $0xFFFFC000  }
0x6d: {  	[hbm4b:s6+s20] =	stream.strided.scatter [tilespmem:s15], [sflag:$0x3], $0x4000, s21, s20, $0x38;
	[tilespmem:$0x12800] =	vst v63  }
0x6e: {  	_ = 	snop  }
0x6f: {  	[hbm4b:s7+s20] =	stream.strided.scatter [tilespmem:s16], [sflag:$0x3], $0x4000, s21, s20, $0x38;
	[tilespmem:$0x12800] =	vst v63  }
0x70: {  	_ =	swait.ge [sflag:s22], $0x4000  }
0x71: {  	[sflag:s22] =	ssyncset.done $0x0  }
0x72: {  	[sflag:s22] =	ssyncadd.s32 $0xFFFFC000  }
0x73: {  	_ =	swait.ge [sflag:s22], $0x4000  }
0x74: {  	[sflag:s22] =	ssyncset.done $0x0  }
0x75: {  	[sflag:s22] =	ssyncadd.s32 $0xFFFFC000  }
0x76: {  	_ =	swait.ge [sflag:s23], $0x4000  }
0x77: {  	[sflag:s23] =	ssyncset.done $0x0  }
0x78: {  	[sflag:s23] =	ssyncadd.s32 $0xFFFFC000  }
0x79: {  	_ =	swait.ge [sflag:s23], $0x4000  }
0x7a: {  	[sflag:s23] =	ssyncset.done $0x0  }
0x7b: {  	[sflag:s23] =	ssyncadd.s32 $0xFFFFC000  }
0x7c: {  	[hbm4b:s8+s20] =	stream.strided.scatter [tilespmem:s17], [sflag:$0x4], $0x4000, s21, s20, $0x38;
	[tilespmem:$0x12800] =	vst v63  }
0x7d: {  	s25 =	sadd.s32 $0x1, s25  }
0x7e: {  	[hbm4b:s9+s20] =	stream.strided.scatter [tilespmem:s18], [sflag:$0x4], $0x4000, s21, s20, $0x38;
	[tilespmem:$0x12800] =	vst v63  }
0x7f: {  	p0 =	sne.s32 s25, s10;
	_ =	swait.ge [sflag:s24], $0x4000  }
.Ltmp1:
0x80: {  	[sflag:s24] =	ssyncset.done $0x0;
	(pc) =	sbr.rel @p0 .LBB2_1-.Ltmp1, $4  }
0x81: {  	[sflag:s24] =	ssyncadd.s32 $0xFFFFC000  }
0x82: {  	_ =	swait.ge [sflag:s24], $0x4000  }
0x83: {  	[sflag:s24] =	ssyncset.done $0x0  }
0x84: {  	[sflag:s24] =	ssyncadd.s32 $0xFFFFC000  }
0x85: {  	_ =	sfence.sel $0x180000  }
0x86: {  	[bflag:$0x0] =	sbarrier.arrive $0xFFFF  }
0x87: {  	p0 =	sne.s32 s1, $0x0;
	_ =	strace $0x90000047  }
0x88: {  	s0 =	sadd.s32 @!p0 $0x100000, s0;
	[bflag:$0x2] =	sbarrier.arrive $0xFFFF  }
0x89: {  	[sflag:s0] =	ssyncadd.tile.s32 @!p0 $0x1;
	_ =	shalt  }
.Lfunc_end2:
_tile_overlayer_lowered:
.L_overlay_start_2:
0x8a: {  	(tag) =	ssettag $0x2  }
0x8b: {  	s0 =	rddreg [dreg:$0x0];
	s2 =	stileid.u32  }
0x8c: {  	s1 =	rddreg [dreg:$0x1];
	p0 =	sne.s32 s2, $0x0  }
0x8d: {  	s3 =	rddreg [dreg:$0x2];
	[bflag:$0x3] =	sbarrier.arrive $0xFFFF;
	s2 =	simm.s32 @!p0 $0x1C05  }
0x8e: {  	[timem:s3], [sflag:s2] =	dma.local @!p0 [hbm:s0], s1  }
0x8f: {  	s0 =	simm.s32 @!p0 $0x5  }
0x90: {  	_ =	swait.ge @!p0 [sflag:s0], s1  }
0x91: {  	s1 =	ssub.s32 @!p0 $0x0, s1;
	[sflag:s0] =	ssyncset.done @!p0 $0x0  }
0x92: {  	[sflag:s0] =	ssyncadd.s32 @!p0 s1  }
0x93: {  	[bflag:$0x3] =	sbarrier.arrive $0xFFFF  }
0x94: {  	_ =	shalt  }

// kernel: sparse-core-data-format-call.cloned.1.call-start
scs
called_computation_lowered:
.L_overlay_start_0:
0x0: {  	s2 =	sld [smem:$0x3FD9]  }
0x1: {  	s3 =	sld [smem:$0x3FFE];
	_ =	sdelay $0x1  }
0x2: {  	s1 =	srdreg.scid  }
0x3: {  	s0 =	sand.u32 $0x1, s1  }
0x4: {  	s18 =	sshll.u32 s0, $0xA;
	s2 =	sadd.s32 s3, s2  }
0x5: {  	s2 =	sadd.s32 s2, s18  }
0x6: {  	[smem:$0x3FC5] =	sst s2  }
0x7: {  	_ = 	snop  }
0x8: {  	s2 =	sld [smem:$0x3FD0];
	(tm) =	ssettm $0x1  }
0x9: {  	s19 =	sld [smem:$0x3FFB];
	_ =	sdelay $0x3  }
0xa: {  	_ =	strace s19  }
0xb: {  	s3 =	sld [smem:$0x3FFC];
	_ =	sdelay $0x3  }
0xc: {  	_ =	strace s3  }
0xd: {  	s3 =	sld [smem:$0x3FFD];
	_ =	sdelay $0x3  }
0xe: {  	_ =	strace s3  }
0xf: {  	_ =	strace $0x8FFFFFFF  }
0x10: {  	s20 =	sld [smem:$0x3FDB];
	_ =	sdelay $0x1  }
0x11: {  	s4 =	simm.s32 $_scs_section_size  }
0x12: {  	s5 =	simm.s32 $_size__tile_overlayer_lowered;
	s6 =	simm.s32 $_tile_overlayer_lowered  }
0x13: {  	s23 =	simm.s32 $0x1BFF;
	s22 =	sshll.u32 s6, $0x1;
	s3 =	sadd.s32 s4, s20  }
0x14: {  	s7 =	simm.s32 $0x0;
	s21 =	sshll.u32 s5, $0x1;
	s5 =	sadd.s32 s22, s3  }
0x15: {  	[timem:s7], [sflag:s23] =	dma.local [hbm:s5], s21  }
0x16: {  	_ =	swait.ge [sflag:s23], s21  }
0x17: {  	s4 =	ssub.s32 $0x0, s21;
	[sflag:s23] =	ssyncset.done $0x0  }
0x18: {  	[sflag:s23] =	ssyncadd.s32 s4;
	_ =	sdelay $0x1  }
0x19: {  	s24 =	simm.s32 $0x1B8B  }
0x1a: {  	_ =	swait.ge [sflag:s24], $0x1  }
0x1b: {  	[sflag:s24] =	ssyncset.done $0x0  }
0x1c: {  	s26 =	simm.s32 $0x1B8E;
	s25 =	sld [smem:$0x3FFE];
	[sflag:s24] =	ssyncadd.s32 $0xFFFFFFFF  }
0x1d: {  	s27 =	simm.s32 $execute0_lowered;
	[smem:$0x3FD2] =	sst s26  }
0x1e: {  	s5 =	sshll.u32 s27, $0x1;
	_ =	strace $0x80000049;
	[dreg:$0x1] =	wrdreg $0xFFFFFFFF  }
0x1f: {  	s28 =	simm.s32 $_size_execute0_lowered;
	s3 =	sadd.s32 s3, s5;
	[dreg:$0x0] =	wrdreg $0x0  }
0x20: {  	s5 =	sshll.u32 s28, $0x1;
	[dreg:$0x2] =	wrdreg s3  }
0x21: {  	[dreg:$0x3] =	wrdreg s5  }
0x22: {  	[dreg:$0x4] =	wrdreg $0xC0  }
0x23: {  	_ =	task [dreg:s7], $0x5FFFF  }
0x24: {  	[dreg:$0x1] =	wrdreg $0xFFFFFFFF  }
0x25: {  	[dreg:$0x0] =	wrdreg $0x60  }
0x26: {  	[dreg:$0x2] =	wrdreg s25  }
0x27: {  	[dreg:$0x3] =	wrdreg s2  }
0x28: {  	[dreg:$0x4] =	wrdreg $0x9  }
0x29: {  	_ =	task.clear_ibuf [dreg:s7], $0x5FFFF;
	_ =	strace $0x90000049  }
0x2a: {  	s29 =	simm.s32 $0x9;
	_ =	strace $0x8000004B  }
0x2b: {  	_ =	swait.ge [sflag:s29], $0x1  }
0x2c: {  	[sflag:s29] =	ssyncadd.s32 $0xFFFFFFFF  }
0x2d: {  	_ =	strace $0x9000004B  }
0x2e: {  	_ =	sfence  }
0x2f: {  	s30 =	sld [smem:$0x0];
	_ =	sdelay $0x2  }
0x30: {  	s31 =	sshll.u32 s1, $0xD;
	s1 =	sshrl.u32 s1, $0x2  }
0x31: {  	s3 =	sand.u32 $0x4000, s31;
	s1 =	sadd.s32 s1, s30  }
0x32: {  	s0 =	sor.u32 s3, s0;
	s1 =	sshll.u32 s1, $0x11  }
0x33: {  	s0 =	sor.u32 s1, s0  }
0x34: {  	s0 =	sadd.s32 $0x8F2B, s0  }
0x35: {  	[sflag:s0] =	ssyncadd.remote.s32 $0x1  }
0x36: {  	_ =	sfence.sel $0xFFFF  }
0x37: {  	[dreg:$0x0] =	wrdreg $0xFFFFFFFF;
	(pc) =	sbr.abs _section_cstart, $3  }
0x38: {  	[dreg:$0x1] =	wrdreg $0xFFFFFFFF  }
0x39: {  	_ =	task.clear_ibuf [dreg:s7], $0x2FFFF;
	_ =	strace $0x9FFFFFFF  }
0x3a: {  	(tm) =	ssettm $0x7FFFFFFF  }
0x3b: {  	_ =	shalt  }
tec
execute0_lowered:
.L_overlay_start_1:
0x0: {  	(tag) =	ssettag $0x1  }
0x1: {  	s0 =	srdreg.scid  }
0x2: {  	s1 =	sshll.u32 s0, $0x4  }
0x3: {  	s4 =	rddreg [dreg:$0x0];
	s0 =	stileid.u32;
	s1 =	sand.u32 $0x10, s1  }
0x4: {  	s2 =	rddreg [dreg:$0x1];
	s7 =	simm.s32 $0x1;
	s1 =	sor.u32 s0, s1  }
0x5: {  	s8 =	simm.s32 $0x2;
	s11 =	simm.s32 $0x0;
	s3 =	sshll.u32 s1, $0x7  }
0x6: {  	s10 =	simm.s32 $0x0;
	s4 =	sadd.s32 $0x800, s4;
	s6 =	ssub.s32 $0x50000, s3  }
.Ltmp0:
0x7: {  	s1 =	rddreg [dreg:$0x2];
	s5 =	sand.u32 $0xF80, s6;
	(pc) =	sbr.rel .LBB1_1-.Ltmp0, $4  }
0x8: {  	_ =	strace $0x8000004A;
	s9 =	smov.u32 s3;
	p0 =	sne.s32 s5, $0x0  }
0x9: {  	s6 =	sshrl.u32 s6, $0xC;
	s5 =	simm.s32 $0x1;
	s7 =	simm.s32 @!p0 $0x0  }
0xa: {  	[sflag:s5] =	ssyncpa.u1 $0x0;
	p0 =	por $0x0, $0x0;
	s6 =	sadd.s32 s7, s6  }
0xb: {  	[sflag:s8] =	ssyncpa.u1 $0x0;
	s8 =	simm.s32 $0x280000;
	s7 =	sadd.s32 $0x1, s6  }
.LBB1_4:
0xc: {  	s14 =	sshll.u32 s11, $0x3  }
0xd: {  	s30 =	sand.u32 $0x7F, s11;
	s15 =	sand.u32 $0xFFFFFC00, s14  }
0xe: {  	s11 =	sor.u32 s30, s15  }
0xf: {  	s15 =	smulhi.u32 $0xCCCCCCCD, s11  }
0x10: {  	s14 =	smulhi.u32 $0xCCCCCCCD, s14  }
0x11: {  	s15 =	sshrl.u32 s15, $0x12  }
0x12: {  	s14 =	sshrl.u32 s14, $0x12;
	s15 =	smul.u32 $0x50000, s15  }
0x13: {  	s14 =	sand.u32 $0x3F, s14  }
0x14: {  	s14 =	smul.u32 $0xA000, s14;
	s11 =	ssub.s32 s11, s15  }
0x15: {  	[tilespmem:s13+$0x810 ss:$0x81] =	vst.msk $0xffff, v2;
	s15 =	sand.u32 $0x7, s11  }
0x16: {  	[tilespmem:s13+$0x1020 ss:$0x81] =	vst.msk $0xffff, v0;
	s14 =	sadd.s32 s2, s14;
	s11 =	sshrl.u32 s11, $0x3;
	s15 =	sshll.u32 s15, $0x12  }
0x17: {  	[tilespmem:s13+$0x0 ss:$0x81] =	vst.msk $0xffff, v1;
	s11 =	sadd.s32 s11, s14;
	s31 =	sor.u32 $0x400, s15  }
0x18: {  	[hbm4b:s11+s31] =	stream.strided.scatter [tilespmem:s12], [sflag:$0x2], $0x2000, s8, s31, $0x20;
	[tilespmem:$0x8080] =	vst v63  }
.LBB1_5:
0x19: {  	s13 =	sadd.s32 $0x1000, s9  }
0x1a: {  	p2 =	sgt.s32 s13, $0x4FFFF  }
0x1b: {  	s13 =	smov.u32 @p2 s3;
	p2 =	sne.s32 s10, s7  }
.Ltmp1:
0x1c: {  	p1 =	slt.u32 s10, $0x2;
	(pc) =	sbr.rel @!p2 .LBB1_6-.Ltmp1, $4  }
0x1d: {  	s12 =	simm.s32 @!p1 $0x2  }
0x1e: {  	s14 =	sadd.s32 $0x1, s10;
	_ =	swait.ge @!p1 [sflag:s12], $0x2000  }
0x1f: {  	s11 =	smov.u32 s9;
	p0 =	por !p0, !p0;
	[sflag:s12] =	ssyncset.done @!p1 $0x0  }
0x20: {  	s10 =	smov.u32 s14;
	s9 =	smov.u32 s13;
	[sflag:s12] =	ssyncadd.s32 @!p1 $0xFFFFE000  }
.LBB1_1:
0x21: {  	p1 =	sge.u32 s10, s6  }
0x22: {  	s12 =	sand.u32 @!p1 $0x1FFFFFF, s9  }
0x23: {  	s13 =	smulhi.u32 @!p1 $0xCCCCCD, s12;
	_ =	sdelay $0x1  }
0x24: {  	s13 =	sshrl.u32 @!p1 s13, $0xA  }
0x25: {  	s13 =	smul.u32 @!p1 $0x50000, s13;
	_ =	sdelay $0x1  }
0x26: {  	s31 =	sadd.s32 $0xFFFFFFFF, s10;
	s14 =	sxor.u32 @!p1 $0xFFFFFFFF, s10;
	s12 =	ssub.s32 @!p1 s12, s13  }
0x27: {  	s15 =	simm.s32 @!p1 $0x80;
	s14 =	sshll.u32 @!p1 s14, $0xD;
	s12 =	sshll.u32 @!p1 s12, $0x4  }
0x28: {  	s13 =	sand.u32 @!p1 $0x2000, s14;
	s14 =	simm.s32 @!p1 $0x40;
	s12 =	sadd.s32 @!p1 s4, s12  }
0x29: {  	[tilespmem:s13], [sflag:$0x1] =	stream.strided.gather @!p1 [hbm4b:s12+s14], $0x2000, s15, s14, $0x38;
	[tilespmem:$0x8080] =	vst v63  }
0x2a: {  	p1 =	sge.u32 s31, s6  }
.Ltmp2:
0x2b: {  	_ = 	snop;
	(pc) =	sbr.rel @p1 .LBB1_5-.Ltmp2, $1  }
0x2c: {  	_ =	sdelay $0x3  }
0x2d: {  	s12 =	simm.s32 $0x1  }
0x2e: {  	_ =	swait.ge [sflag:s5], $0x2000;
	s12 =	simm.s32 @!p0 $0x0  }
0x2f: {  	[sflag:s5] =	ssyncset.done $0x0;
	s13 =	sshll.u32 s12, $0xD  }
0x30: {  	[sflag:s5] =	ssyncadd.s32 $0xFFFFE000;
	s16 =	sor.u32 $0x20, s13  }
0x31: {  	s12 =	smul.u32 $0x8100, s12;
	v3 =	vld [tilespmem:s16+$0x10]  }
0x32: {  	s30 =	sand.u32 $0x1, s10;
	v2 =	vld [tilespmem:s16+$0xFFFFFFF0]  }
0x33: {  	s13 =	smul.u32 $0x8100, s30;
	s12 =	sshrl.u32 s12, $0x2;
	v0 =	vld [tilespmem:s16+$0x0]  }
0x34: {  	v1 =	vld [tilespmem:s16+$0xFFFFFFE0];
	s14 =	sor.u32 $0x4000, s12  }
0x35: {  	s31 =	sshrl.u32 s13, $0x2;
	s13 =	sadd.s32 $0x0, s14  }
0x36: {  	s15 =	simm.s32 $0x4;
	s16 =	sadd.s32 $0x40, s16;
	s12 =	sor.u32 $0x4000, s31;
	[tilespmem:s13+$0x1830 ss:$0x81] =	vst.msk $0xffff, v3  }
.LBB1_3:
0x37: {  	v3 =	vld [tilespmem:s16+$0x10];
	p1 =	sne.s32 s15, $0x1FC;
	[tilespmem:s13+$0x810 ss:$0x81] =	vst.msk $0xffff, v2;
	s17 =	smov.u32 s15;
	s15 =	sadd.s32 $0x4, s15  }
.Ltmp3:
0x38: {  	v2 =	vld [tilespmem:s16+$0xFFFFFFF0];
	[tilespmem:s13+$0x1020 ss:$0x81] =	vst.msk $0xffff, v0;
	(pc) =	sbr.rel @p1 .LBB1_3-.Ltmp3, $4  }
0x39: {  	v0 =	vld [tilespmem:s16+$0x0];
	[tilespmem:s13+$0x0 ss:$0x81] =	vst.msk $0xffff, v1  }
0x3a: {  	s13 =	sshra.s32 s17, $0x2;
	v1 =	vld [tilespmem:s16+$0xFFFFFFE0]  }
0x3b: {  	s13 =	sadd.s32 s13, s14  }
0x3c: {  	s16 =	sadd.s32 $0x40, s16;
	[tilespmem:s13+$0x1830 ss:$0x81] =	vst.msk $0xffff, v3  }
.Ltmp4:
0x3d: {  	_ = 	snop;
	(pc) =	sbr.rel .LBB1_4-.Ltmp4, $1  }
0x3e: {  	_ =	sdelay $0x3  }
.LBB1_6:
0x3f: {  	_ =	sfence.sel $0x180000  }
0x40: {  	s2 =	simm.s32 $0x1;
	[bflag:$0x0] =	sbarrier.arrive $0xFFFF  }
0x41: {  	s31 =	simm.s32 $0x2;
	[sflag:s2] =	ssyncpa.u1 $0x1  }
0x42: {  	[sflag:s31] =	ssyncpa.u1 $0x1  }
0x43: {  	p0 =	sne.s32 s0, $0x0;
	_ =	strace $0x9000004A  }
0x44: {  	s0 =	sadd.s32 @!p0 $0x100000, s1;
	[bflag:$0x2] =	sbarrier.arrive $0xFFFF  }
0x45: {  	[sflag:s0] =	ssyncadd.tile.s32 @!p0 $0x1;
	_ =	shalt  }
.Lfunc_end1:
_tile_overlayer_lowered:
.L_overlay_start_2:
0x46: {  	(tag) =	ssettag $0x2  }
0x47: {  	s0 =	rddreg [dreg:$0x0];
	s2 =	stileid.u32  }
0x48: {  	s1 =	rddreg [dreg:$0x1];
	p0 =	sne.s32 s2, $0x0  }
0x49: {  	s3 =	rddreg [dreg:$0x2];
	[bflag:$0x3] =	sbarrier.arrive $0xFFFF;
	s2 =	simm.s32 @!p0 $0x1C01  }
0x4a: {  	[timem:s3], [sflag:s2] =	dma.local @!p0 [hbm:s0], s1  }
0x4b: {  	s0 =	simm.s32 @!p0 $0x1  }
0x4c: {  	_ =	swait.ge @!p0 [sflag:s0], s1  }
0x4d: {  	s1 =	ssub.s32 @!p0 $0x0, s1;
	[sflag:s0] =	ssyncset.done @!p0 $0x0  }
0x4e: {  	[sflag:s0] =	ssyncadd.s32 @!p0 s1  }
0x4f: {  	[bflag:$0x3] =	sbarrier.arrive $0xFFFF  }
0x50: {  	_ =	shalt  }

</sc_bundles>
